<compile_context>
chip_gen: v7x
topology: tpu7x:2x2x1
jax: 0.10.2.dev20260603
libtpu: 0.0.44.dev20260713+nightly
codegen_flags: <defaults>
</compile_context>

<pallas_src>
import dataclasses
import functools

import jax
import jax.numpy as jnp
from jax import lax
from jax.experimental import pallas as pl
from jax.experimental.pallas import tpu as pltpu
from jax.experimental.pallas import tpu_sc as plsc

_NW = 32
_L = 16


def _tc_nll_body(SB, B, V, x_ref, t_ref, m_ref, out_ref, tT_ref, mT_ref):
    i = pl.program_id(0)

    @pl.when(i == 0)
    def _():
        out_ref[...] = jnp.zeros_like(out_ref)
        tT_ref[...] = t_ref[...].T
        mT_ref[...] = m_ref[...].T

    x = x_ref[...]
    t = tT_ref[pl.ds(i * SB, SB), :]
    m = mT_ref[pl.ds(i * SB, SB), :]
    col = lax.broadcasted_iota(jnp.int32, (SB, B, V), 2)
    sel = jnp.where(col == t[:, :, None], x, 0.0)
    nll_blk = jnp.sum(jnp.sum(sel, axis=2) * m)
    msk_blk = jnp.sum(m)
    r8 = lax.broadcasted_iota(jnp.int32, (8, 128), 0)
    c128 = lax.broadcasted_iota(jnp.int32, (8, 128), 1)
    out_ref[...] += jnp.where((r8 == 0) & (c128 == 0), nll_blk, 0.0) \
        + jnp.where((r8 == 0) & (c128 == 1), msk_blk, 0.0)


def _sc_match_body(N, MW, G, CH2, CHR,
                   pk_hbm, out_hbm,
                   mt_v, mm_v, idx2_v, val2_v, acc_v, cnt_v, res_v, sem):
    wid = lax.axis_index("s") * 2 + lax.axis_index("c")
    iota = lax.iota(jnp.int32, _L)
    zero = jnp.zeros((_L,), jnp.float32)
    izero = jnp.zeros((_L,), jnp.int32)
    NG = N * G

    b2 = wid * CH2
    pltpu.sync_copy(pk_hbm.at[pl.ds(b2, CH2)], mt_v)
    pltpu.sync_copy(pk_hbm.at[pl.ds(NG + b2, CH2)], mm_v.at[pl.ds(0, CH2)])
    for c in range(CH2 // _L, (G * CHR) // _L):
        mm_v[pl.ds(c * _L, _L)] = izero

    @pl.loop(0, CH2, step=_L)
    def _(c):
        j = b2 + c + iota
        row = jnp.minimum(lax.shift_right_logical(j, 2), N - 1)
        mt = mt_v[pl.ds(c, _L)]
        idx2_v[pl.ds(c, _L)] = 2 * NG + jnp.maximum((mt - 1) * N + row, 0)

    splits = list(range(0, CH2, 128)) + [CH2]
    cps = []
    for lo, hi in zip(splits[:-1], splits[1:]):
        cps.append(pltpu.async_copy(
            pk_hbm.at[idx2_v.at[pl.ds(lo, hi - lo)]],
            val2_v.at[pl.ds(lo, hi - lo)], sem))
    for cp in cps:
        cp.wait()

    acc_v[...] = zero
    cnt_v[...] = zero

    @pl.loop(0, CH2, step=_L)
    def _(c):
        mt = mt_v[pl.ds(c, _L)]
        mm = plsc.bitcast(mm_v[pl.ds(c, _L)], jnp.float32)
        val = plsc.bitcast(val2_v[pl.ds(c, _L)], jnp.float32)
        term = val * jnp.where(mt == 0, 0.0, mm)
        acc_v[...] = acc_v[...] + term

    @pl.loop(0, CHR * G, step=_L * G)
    def _(base):
        rs = zero
        for g in range(G):
            rs = rs + plsc.bitcast(
                plsc.load_gather(mm_v, [iota * G + (base + g)]), jnp.float32)
        cnt_v[...] = cnt_v[...] + jnp.where(rs != 0.0, 1.0, 0.0)

    s2 = jnp.sum(acc_v[...])
    sc = jnp.sum(cnt_v[...])
    res_v[...] = jnp.where(iota == 0, -s2, 0.0) + jnp.where(iota == 1, sc, 0.0)
    pltpu.sync_copy(res_v, out_hbm.at[wid])


def kernel(input, target, mask, match_input, match_target, match_mask):
    B, S, V = input.shape
    MW = match_input.shape[2]
    G = match_target.shape[2]
    N = B * S

    f32 = jnp.float32
    i32 = jnp.int32
    xt = jnp.transpose(input, (1, 0, 2))
    SB = 10

    nll = pl.pallas_call(
        functools.partial(_tc_nll_body, SB, B, V),
        grid=(S // SB,),
        in_specs=[
            pl.BlockSpec((SB, B, V), lambda i: (i, 0, 0)),
            pl.BlockSpec((B, S), lambda i: (0, 0)),
            pl.BlockSpec((B, S), lambda i: (0, 0)),
        ],
        out_specs=pl.BlockSpec((8, 128), lambda i: (0, 0)),
        out_shape=jax.ShapeDtypeStruct((8, 128), f32),
        scratch_shapes=[
            pltpu.VMEM((S, B), i32),
            pltpu.VMEM((S, B), f32),
        ],
    )(xt, target.astype(i32), mask.astype(f32))

    CH2 = N * G // _NW
    CHR = N // _NW
    CHR_PAD = (CHR + _L - 1) // _L * _L

    mif = jnp.transpose(match_input, (2, 0, 1)).reshape(-1)
    pk = jnp.concatenate([
        match_target.reshape(-1).astype(i32),
        lax.bitcast_convert_type(match_mask.reshape(-1).astype(f32), i32),
        lax.bitcast_convert_type(mif, i32),
    ])

    mesh = plsc.VectorSubcoreMesh(core_axis_name="c", subcore_axis_name="s")
    body = functools.partial(_sc_match_body, N, MW, G, CH2, CHR_PAD)
    cp = pltpu.CompilerParams()
    if "needs_layout_passes" in pltpu.CompilerParams.__dataclass_fields__:
        cp = dataclasses.replace(cp, needs_layout_passes=False)
    out = pl.kernel(
        body,
        out_type=jax.ShapeDtypeStruct((_NW, _L), f32),
        mesh=mesh,
        compiler_params=cp,
        scratch_types=[
            pltpu.VMEM((CH2,), i32),
            pltpu.VMEM((G * CHR_PAD,), i32),
            pltpu.VMEM((CH2,), i32),
            pltpu.VMEM((CH2,), i32),
            pltpu.VMEM((_L,), f32),
            pltpu.VMEM((_L,), f32),
            pltpu.VMEM((_L,), f32),
            pltpu.SemaphoreType.DMA,
        ],
    )(pk)

    p = out.sum(axis=0)
    return (-nll[0, 0] / nll[0, 1], p[0] / p[1])

# --- scband reference (transcript-rebuilt; emitter-appended) ---
"""Pipeline reference for scband-language-model-match-criterion-34273839022545 (READ-ONLY COPY).

The authoritative reference and input builder live on the scoring server;
editing this copy changes nothing except your own understanding.
"""

import jax, jax.numpy as jnp
import numpy as np

MATCH_WEIGHT = 1.0
GOLD_NUM = 4

def setup_inputs(seed: int = 0) -> dict:
    key = jax.random.key(seed)
    ks = jax.random.split(key, 6)
    B, S, V = 32, 100, 10000
    MW = 50
    inp = {}
    inp['input'] = jax.nn.log_softmax(jax.random.normal(ks[0], (B, S, V), dtype=jnp.float32), axis=-1)
    inp['target'] = jax.random.randint(ks[1], (B, S), 0, V).astype(jnp.int64)
    inp['mask'] = jnp.ones((B, S), dtype=jnp.float32)
    inp['match_input'] = jax.random.normal(ks[2], (B, S, MW), dtype=jnp.float32)
    inp['match_target'] = jax.random.randint(ks[3], (B, S, GOLD_NUM), 0, MW + 1).astype(jnp.int64)
    inp['match_mask'] = jnp.ones((B, S, GOLD_NUM), dtype=jnp.float32)
    return inp

def reference(input, target, mask, match_input, match_target, match_mask):
    B, S, V = input.shape
    target = target[:, :S]
    mask = mask[:, :S]
    inp2 = input.reshape(-1, V)
    tgt2 = target.reshape(-1, 1)
    m2 = mask.reshape(-1, 1)
    output = -jnp.take_along_axis(inp2, tgt2, axis=1) * m2
    output = jnp.sum(output) / jnp.sum(m2)
    Sm = match_input.shape[1]
    mt = match_target[:, :Sm].reshape(-1, GOLD_NUM)
    mm = match_mask[:, :Sm].reshape(-1, GOLD_NUM)
    mi = match_input.reshape(-1, match_input.shape[2])
    mi = jnp.pad(mi, ((0, 0), (1, 0)), mode='constant', constant_values=0.0)
    match_output = -jnp.take_along_axis(mi, mt, axis=1) * mm
    mask_num = jnp.sum((jnp.sum(mm, axis=1) != 0).astype(jnp.float32))
    match_output = jnp.sum(match_output) / mask_num
    return (output, MATCH_WEIGHT * match_output)

if __name__ == "__main__":
    import jax
    _d = setup_inputs()
    print(jax.jit(kernel)(*tuple(_d.values())))

</pallas_src>

<mosaic_0001>
#map = affine_map<(d0, d1) -> (0)>
#map1 = affine_map<(d0, d1) -> (0, 0)>
module attributes {stable_mosaic.version = 14 : i64} {
  func.func @_sc_match_body(%arg0: i32, %arg1: i32, %arg2: memref<185600xi32, #tpu.memory_space<hbm>>, %arg3: memref<32x16xf32, #tpu.memory_space<hbm>>, %arg4: memref<400xi32, #tpu.memory_space<vmem>>, %arg5: memref<448xi32, #tpu.memory_space<vmem>>, %arg6: memref<400xi32, #tpu.memory_space<vmem>>, %arg7: memref<400xi32, #tpu.memory_space<vmem>>, %arg8: memref<16xf32, #tpu.memory_space<vmem>>, %arg9: memref<16xf32, #tpu.memory_space<vmem>>, %arg10: memref<16xf32, #tpu.memory_space<vmem>>, %arg11: memref<!tpu.dma_semaphore, #tpu.memory_space<semaphore_mem>>) attributes {dimension_semantics = [#tpu.dimension_semantics<core_parallel>, #tpu.dimension_semantics<subcore_parallel>], iteration_bounds = array<i64: 2, 16>, scalar_prefetch = 0 : i64, scratch_operands = 8 : i64, tpu.core_type = #tpu.core_type<sc_vector_subcore>, window_params = [{transform_indices = #map}, {transform_indices = #map1}]} {
    %mul3A = arith.constant 2 : i32
    %mul3A_0 = arith.muli %arg1, %mul3A : i32
    %add3A = arith.addi %mul3A_0, %arg0 : i32
    %iota3A = tpu.iota {dimensions = array<i32: 0>} : vector<16xi32>
    %broadcast_in_dim3A = arith.constant 0.000000e+00 : f32
    %broadcast_in_dim3A_1 = vector.broadcast %broadcast_in_dim3A : f32 to vector<16xf32>
    %broadcast_in_dim3A_2 = arith.constant 0 : i32
    %broadcast_in_dim3A_3 = vector.broadcast %broadcast_in_dim3A_2 : i32 to vector<16xi32>
    %mul3A_4 = arith.constant 400 : i32
    %mul3A_5 = arith.muli %add3A, %mul3A_4 : i32
    "tpu.region"() ({
      %run_scoped3A = tpu.sem_alloc : memref<!tpu.dma_semaphore, #tpu.memory_space<semaphore_mem>>
      %dma_start3A_102 = tpu.memref_slice %arg2[%mul3A_5] : memref<185600xi32, #tpu.memory_space<hbm>> -> memref<400xi32, #tpu.memory_space<hbm>>
      %dma_start3A_103 = tpu.memref_slice %arg2[%mul3A_5] : memref<185600xi32, #tpu.memory_space<hbm>> -> memref<400xi32, #tpu.memory_space<hbm>>
      tpu.enqueue_dma source(%dma_start3A_103 : memref<400xi32, #tpu.memory_space<hbm>>) target(%arg4 : memref<400xi32, #tpu.memory_space<vmem>>) target_semaphore(%run_scoped3A : memref<!tpu.dma_semaphore, #tpu.memory_space<semaphore_mem>>)
      %dma_wait3A_104 = tpu.memref_slice %arg2[%mul3A_5] : memref<185600xi32, #tpu.memory_space<hbm>> -> memref<400xi32, #tpu.memory_space<hbm>>
      %dma_wait3A_105 = tpu.memref_slice %arg2[%mul3A_5] : memref<185600xi32, #tpu.memory_space<hbm>> -> memref<400xi32, #tpu.memory_space<hbm>>
      tpu.wait_dma2 semaphore(%run_scoped3A : memref<!tpu.dma_semaphore, #tpu.memory_space<semaphore_mem>>) src(%dma_wait3A_105 : memref<400xi32, #tpu.memory_space<hbm>>) dst(%arg4 : memref<400xi32, #tpu.memory_space<vmem>>)
      tpu.yield
    }) : () -> ()
    %add3A_6 = arith.constant 12800 : i32
    %add3A_7 = arith.addi %add3A_6, %mul3A_5 : i32
    "tpu.region"() ({
      %run_scoped3A = tpu.sem_alloc : memref<!tpu.dma_semaphore, #tpu.memory_space<semaphore_mem>>
      %dma_start3A_102 = arith.constant 0 : i32
      %dma_start3A_103 = tpu.memref_slice %arg5[%dma_start3A_102] : memref<448xi32, #tpu.memory_space<vmem>> -> memref<400xi32, #tpu.memory_space<vmem>>
      %dma_start3A_104 = tpu.memref_slice %arg2[%add3A_7] : memref<185600xi32, #tpu.memory_space<hbm>> -> memref<400xi32, #tpu.memory_space<hbm>>
      %dma_start3A_105 = arith.constant 0 : i32
      %dma_start3A_106 = tpu.memref_slice %arg5[%dma_start3A_105] : memref<448xi32, #tpu.memory_space<vmem>> -> memref<400xi32, #tpu.memory_space<vmem>>
      %dma_start3A_107 = tpu.memref_slice %arg2[%add3A_7] : memref<185600xi32, #tpu.memory_space<hbm>> -> memref<400xi32, #tpu.memory_space<hbm>>
      tpu.enqueue_dma source(%dma_start3A_107 : memref<400xi32, #tpu.memory_space<hbm>>) target(%dma_start3A_106 : memref<400xi32, #tpu.memory_space<vmem>>) target_semaphore(%run_scoped3A : memref<!tpu.dma_semaphore, #tpu.memory_space<semaphore_mem>>)
      %dma_wait3A_108 = arith.constant 0 : i32
      %dma_wait3A_109 = tpu.memref_slice %arg5[%dma_wait3A_108] : memref<448xi32, #tpu.memory_space<vmem>> -> memref<400xi32, #tpu.memory_space<vmem>>
      %dma_wait3A_110 = tpu.memref_slice %arg2[%add3A_7] : memref<185600xi32, #tpu.memory_space<hbm>> -> memref<400xi32, #tpu.memory_space<hbm>>
      %dma_wait3A_111 = arith.constant 0 : i32
      %dma_wait3A_112 = tpu.memref_slice %arg5[%dma_wait3A_111] : memref<448xi32, #tpu.memory_space<vmem>> -> memref<400xi32, #tpu.memory_space<vmem>>
      %dma_wait3A_113 = tpu.memref_slice %arg2[%add3A_7] : memref<185600xi32, #tpu.memory_space<hbm>> -> memref<400xi32, #tpu.memory_space<hbm>>
      tpu.wait_dma2 semaphore(%run_scoped3A : memref<!tpu.dma_semaphore, #tpu.memory_space<semaphore_mem>>) src(%dma_wait3A_113 : memref<400xi32, #tpu.memory_space<hbm>>) dst(%dma_wait3A_112 : memref<400xi32, #tpu.memory_space<vmem>>)
      tpu.yield
    }) : () -> ()
    %swap3A = arith.constant 400 : index
    %swap3A_8 = tpu.vector_load %arg5[%swap3A] {strides = array<i32>} : memref<448xi32, #tpu.memory_space<vmem>>, vector<16xi32>,
    tpu.vector_store %arg5[%swap3A], %broadcast_in_dim3A_3 {strides = array<i32>} : memref<448xi32, #tpu.memory_space<vmem>>, vector<16xi32>,
    %swap3A_9 = arith.constant 416 : index
    %swap3A_10 = tpu.vector_load %arg5[%swap3A_9] {strides = array<i32>} : memref<448xi32, #tpu.memory_space<vmem>>, vector<16xi32>,
    tpu.vector_store %arg5[%swap3A_9], %broadcast_in_dim3A_3 {strides = array<i32>} : memref<448xi32, #tpu.memory_space<vmem>>, vector<16xi32>,
    %swap3A_11 = arith.constant 432 : index
    %swap3A_12 = tpu.vector_load %arg5[%swap3A_11] {strides = array<i32>} : memref<448xi32, #tpu.memory_space<vmem>>, vector<16xi32>,
    tpu.vector_store %arg5[%swap3A_11], %broadcast_in_dim3A_3 {strides = array<i32>} : memref<448xi32, #tpu.memory_space<vmem>>, vector<16xi32>,
    %scan3A = arith.constant 0 : i32
    %scan3A_13 = arith.constant 25 : i32
    %scan3A_14 = arith.addi %scan3A, %scan3A_13 : i32
    %scan3A_15 = arith.constant 1 : i32
    scf.for %scan3A_102 = %scan3A to %scan3A_14 step %scan3A_15  : i32 {
      %mul3A_103 = arith.constant 16 : i32
      %mul3A_104 = arith.muli %scan3A_102, %mul3A_103 : i32
      %add3A_105 = arith.constant 0 : i32
      %add3A_106 = arith.addi %add3A_105, %mul3A_104 : i32
      %add3A_107 = arith.addi %mul3A_5, %add3A_106 : i32
      %add3A_108 = vector.broadcast %add3A_107 : i32 to vector<16xi32>
      %add3A_109 = arith.addi %add3A_108, %iota3A : vector<16xi32>
      %shift_right_logical3A = arith.constant 2 : i32
      %shift_right_logical3A_110 = vector.broadcast %shift_right_logical3A : i32 to vector<16xi32>
      %shift_right_logical3A_111 = arith.shrui %add3A_109, %shift_right_logical3A_110 : vector<16xi32>
      %min3A = arith.constant 3199 : i32
      %min3A_112 = vector.broadcast %min3A : i32 to vector<16xi32>
      %min3A_113 = arith.minsi %shift_right_logical3A_111, %min3A_112 : vector<16xi32>
      %get3A_114 = arith.index_cast %add3A_106 : i32 to index
      %get3A_115 = tpu.vector_load %arg4[%get3A_114] {strides = array<i32>} : memref<400xi32, #tpu.memory_space<vmem>>, vector<16xi32>,
      %sub3A = arith.constant 1 : i32
      %sub3A_116 = vector.broadcast %sub3A : i32 to vector<16xi32>
      %sub3A_117 = arith.subi %get3A_115, %sub3A_116 : vector<16xi32>
      %mul3A_118 = arith.constant 3200 : i32
      %mul3A_119 = vector.broadcast %mul3A_118 : i32 to vector<16xi32>
      %mul3A_120 = arith.muli %sub3A_117, %mul3A_119 : vector<16xi32>
      %add3A_121 = arith.addi %mul3A_120, %min3A_113 : vector<16xi32>
      %max3A = arith.constant 0 : i32
      %max3A_122 = vector.broadcast %max3A : i32 to vector<16xi32>
      %max3A_123 = arith.maxsi %add3A_121, %max3A_122 : vector<16xi32>
      %add3A_124 = arith.constant 25600 : i32
      %add3A_125 = vector.broadcast %add3A_124 : i32 to vector<16xi32>
      %add3A_126 = arith.addi %add3A_125, %max3A_123 : vector<16xi32>
      %swap3A_127 = arith.index_cast %add3A_106 : i32 to index
      %swap3A_128 = tpu.vector_load %arg6[%swap3A_127] {strides = array<i32>} : memref<400xi32, #tpu.memory_space<vmem>>, vector<16xi32>,
      tpu.vector_store %arg6[%swap3A_127], %add3A_126 {strides = array<i32>} : memref<400xi32, #tpu.memory_space<vmem>>, vector<16xi32>,
    }
    %scan3A_16 = arith.constant 25 : i32
    %dma_start3A = arith.constant 0 : i32
    %dma_start3A_17 = tpu.memref_slice %arg7[%dma_start3A] : memref<400xi32, #tpu.memory_space<vmem>> -> memref<128xi32, #tpu.memory_space<vmem>>
    %dma_start3A_18 = arith.constant 0 : i32
    %dma_start3A_19 = tpu.memref_slice %arg6[%dma_start3A_18] : memref<400xi32, #tpu.memory_space<vmem>> -> memref<128xi32, #tpu.memory_space<vmem>>
    %dma_start3A_20 = arith.constant 0 : i32
    %dma_start3A_21 = tpu.memref_slice %arg2[%dma_start3A_20] : memref<185600xi32, #tpu.memory_space<hbm>> -> memref<185600xi32, #tpu.memory_space<hbm>>
    tpu.enqueue_indirect_dma source(%dma_start3A_21 : memref<185600xi32, #tpu.memory_space<hbm>>) target(%dma_start3A_17 : memref<128xi32, #tpu.memory_space<vmem>>) offsets(%dma_start3A_19 : memref<128xi32, #tpu.memory_space<vmem>>) semaphore(%arg11 : memref<!tpu.dma_semaphore, #tpu.memory_space<semaphore_mem>>)
    %dma_start3A_22 = arith.constant 128 : i32
    %dma_start3A_23 = tpu.memref_slice %arg7[%dma_start3A_22] : memref<400xi32, #tpu.memory_space<vmem>> -> memref<128xi32, #tpu.memory_space<vmem>>
    %dma_start3A_24 = arith.constant 128 : i32
    %dma_start3A_25 = tpu.memref_slice %arg6[%dma_start3A_24] : memref<400xi32, #tpu.memory_space<vmem>> -> memref<128xi32, #tpu.memory_space<vmem>>
    %dma_start3A_26 = arith.constant 0 : i32
    %dma_start3A_27 = tpu.memref_slice %arg2[%dma_start3A_26] : memref<185600xi32, #tpu.memory_space<hbm>> -> memref<185600xi32, #tpu.memory_space<hbm>>
    tpu.enqueue_indirect_dma source(%dma_start3A_27 : memref<185600xi32, #tpu.memory_space<hbm>>) target(%dma_start3A_23 : memref<128xi32, #tpu.memory_space<vmem>>) offsets(%dma_start3A_25 : memref<128xi32, #tpu.memory_space<vmem>>) semaphore(%arg11 : memref<!tpu.dma_semaphore, #tpu.memory_space<semaphore_mem>>)
    %dma_start3A_28 = arith.constant 256 : i32
    %dma_start3A_29 = tpu.memref_slice %arg7[%dma_start3A_28] : memref<400xi32, #tpu.memory_space<vmem>> -> memref<128xi32, #tpu.memory_space<vmem>>
    %dma_start3A_30 = arith.constant 256 : i32
    %dma_start3A_31 = tpu.memref_slice %arg6[%dma_start3A_30] : memref<400xi32, #tpu.memory_space<vmem>> -> memref<128xi32, #tpu.memory_space<vmem>>
    %dma_start3A_32 = arith.constant 0 : i32
    %dma_start3A_33 = tpu.memref_slice %arg2[%dma_start3A_32] : memref<185600xi32, #tpu.memory_space<hbm>> -> memref<185600xi32, #tpu.memory_space<hbm>>
    tpu.enqueue_indirect_dma source(%dma_start3A_33 : memref<185600xi32, #tpu.memory_space<hbm>>) target(%dma_start3A_29 : memref<128xi32, #tpu.memory_space<vmem>>) offsets(%dma_start3A_31 : memref<128xi32, #tpu.memory_space<vmem>>) semaphore(%arg11 : memref<!tpu.dma_semaphore, #tpu.memory_space<semaphore_mem>>)
    %dma_start3A_34 = arith.constant 384 : i32
    %dma_start3A_35 = tpu.memref_slice %arg7[%dma_start3A_34] : memref<400xi32, #tpu.memory_space<vmem>> -> memref<16xi32, #tpu.memory_space<vmem>>
    %dma_start3A_36 = arith.constant 384 : i32
    %dma_start3A_37 = tpu.memref_slice %arg6[%dma_start3A_36] : memref<400xi32, #tpu.memory_space<vmem>> -> memref<16xi32, #tpu.memory_space<vmem>>
    %dma_start3A_38 = arith.constant 0 : i32
    %dma_start3A_39 = tpu.memref_slice %arg2[%dma_start3A_38] : memref<185600xi32, #tpu.memory_space<hbm>> -> memref<185600xi32, #tpu.memory_space<hbm>>
    tpu.enqueue_indirect_dma source(%dma_start3A_39 : memref<185600xi32, #tpu.memory_space<hbm>>) target(%dma_start3A_35 : memref<16xi32, #tpu.memory_space<vmem>>) offsets(%dma_start3A_37 : memref<16xi32, #tpu.memory_space<vmem>>) semaphore(%arg11 : memref<!tpu.dma_semaphore, #tpu.memory_space<semaphore_mem>>)
    %dma_wait3A = arith.constant 0 : i32
    %dma_wait3A_40 = tpu.memref_slice %arg7[%dma_wait3A] : memref<400xi32, #tpu.memory_space<vmem>> -> memref<128xi32, #tpu.memory_space<vmem>>
    %dma_wait3A_41 = arith.constant 0 : i32
    %dma_wait3A_42 = tpu.memref_slice %arg6[%dma_wait3A_41] : memref<400xi32, #tpu.memory_space<vmem>> -> memref<128xi32, #tpu.memory_space<vmem>>
    %dma_wait3A_43 = arith.constant 0 : i32
    %dma_wait3A_44 = tpu.memref_slice %arg2[%dma_wait3A_43] : memref<185600xi32, #tpu.memory_space<hbm>> -> memref<185600xi32, #tpu.memory_space<hbm>>
    tpu.wait_indirect_dma semaphore(%arg11 : memref<!tpu.dma_semaphore, #tpu.memory_space<semaphore_mem>>) src(%dma_wait3A_44 : memref<185600xi32, #tpu.memory_space<hbm>>) dst(%dma_wait3A_40 : memref<128xi32, #tpu.memory_space<vmem>>)
    %dma_wait3A_45 = arith.constant 128 : i32
    %dma_wait3A_46 = tpu.memref_slice %arg7[%dma_wait3A_45] : memref<400xi32, #tpu.memory_space<vmem>> -> memref<128xi32, #tpu.memory_space<vmem>>
    %dma_wait3A_47 = arith.constant 128 : i32
    %dma_wait3A_48 = tpu.memref_slice %arg6[%dma_wait3A_47] : memref<400xi32, #tpu.memory_space<vmem>> -> memref<128xi32, #tpu.memory_space<vmem>>
    %dma_wait3A_49 = arith.constant 0 : i32
    %dma_wait3A_50 = tpu.memref_slice %arg2[%dma_wait3A_49] : memref<185600xi32, #tpu.memory_space<hbm>> -> memref<185600xi32, #tpu.memory_space<hbm>>
    tpu.wait_indirect_dma semaphore(%arg11 : memref<!tpu.dma_semaphore, #tpu.memory_space<semaphore_mem>>) src(%dma_wait3A_50 : memref<185600xi32, #tpu.memory_space<hbm>>) dst(%dma_wait3A_46 : memref<128xi32, #tpu.memory_space<vmem>>)
    %dma_wait3A_51 = arith.constant 256 : i32
    %dma_wait3A_52 = tpu.memref_slice %arg7[%dma_wait3A_51] : memref<400xi32, #tpu.memory_space<vmem>> -> memref<128xi32, #tpu.memory_space<vmem>>
    %dma_wait3A_53 = arith.constant 256 : i32
    %dma_wait3A_54 = tpu.memref_slice %arg6[%dma_wait3A_53] : memref<400xi32, #tpu.memory_space<vmem>> -> memref<128xi32, #tpu.memory_space<vmem>>
    %dma_wait3A_55 = arith.constant 0 : i32
    %dma_wait3A_56 = tpu.memref_slice %arg2[%dma_wait3A_55] : memref<185600xi32, #tpu.memory_space<hbm>> -> memref<185600xi32, #tpu.memory_space<hbm>>
    tpu.wait_indirect_dma semaphore(%arg11 : memref<!tpu.dma_semaphore, #tpu.memory_space<semaphore_mem>>) src(%dma_wait3A_56 : memref<185600xi32, #tpu.memory_space<hbm>>) dst(%dma_wait3A_52 : memref<128xi32, #tpu.memory_space<vmem>>)
    %dma_wait3A_57 = arith.constant 384 : i32
    %dma_wait3A_58 = tpu.memref_slice %arg7[%dma_wait3A_57] : memref<400xi32, #tpu.memory_space<vmem>> -> memref<16xi32, #tpu.memory_space<vmem>>
    %dma_wait3A_59 = arith.constant 384 : i32
    %dma_wait3A_60 = tpu.memref_slice %arg6[%dma_wait3A_59] : memref<400xi32, #tpu.memory_space<vmem>> -> memref<16xi32, #tpu.memory_space<vmem>>
    %dma_wait3A_61 = arith.constant 0 : i32
    %dma_wait3A_62 = tpu.memref_slice %arg2[%dma_wait3A_61] : memref<185600xi32, #tpu.memory_space<hbm>> -> memref<185600xi32, #tpu.memory_space<hbm>>
    tpu.wait_indirect_dma semaphore(%arg11 : memref<!tpu.dma_semaphore, #tpu.memory_space<semaphore_mem>>) src(%dma_wait3A_62 : memref<185600xi32, #tpu.memory_space<hbm>>) dst(%dma_wait3A_58 : memref<16xi32, #tpu.memory_space<vmem>>)
    %swap3A_63 = arith.constant 0 : index
    %swap3A_64 = tpu.vector_load %arg8[%swap3A_63] {strides = array<i32>} : memref<16xf32, #tpu.memory_space<vmem>>, vector<16xf32>,
    tpu.vector_store %arg8[%swap3A_63], %broadcast_in_dim3A_1 {strides = array<i32>} : memref<16xf32, #tpu.memory_space<vmem>>, vector<16xf32>,
    %swap3A_65 = arith.constant 0 : index
    %swap3A_66 = tpu.vector_load %arg9[%swap3A_65] {strides = array<i32>} : memref<16xf32, #tpu.memory_space<vmem>>, vector<16xf32>,
    tpu.vector_store %arg9[%swap3A_65], %broadcast_in_dim3A_1 {strides = array<i32>} : memref<16xf32, #tpu.memory_space<vmem>>, vector<16xf32>,
    %scan3A_67 = arith.constant 0 : i32
    %scan3A_68 = arith.constant 25 : i32
    %scan3A_69 = arith.addi %scan3A_67, %scan3A_68 : i32
    %scan3A_70 = arith.constant 1 : i32
    scf.for %scan3A_102 = %scan3A_67 to %scan3A_69 step %scan3A_70  : i32 {
      %mul3A_103 = arith.constant 16 : i32
      %mul3A_104 = arith.muli %scan3A_102, %mul3A_103 : i32
      %add3A_105 = arith.constant 0 : i32
      %add3A_106 = arith.addi %add3A_105, %mul3A_104 : i32
      %get3A_107 = arith.index_cast %add3A_106 : i32 to index
      %get3A_108 = tpu.vector_load %arg4[%get3A_107] {strides = array<i32>} : memref<400xi32, #tpu.memory_space<vmem>>, vector<16xi32>,
      %get3A_109 = arith.index_cast %add3A_106 : i32 to index
      %get3A_110 = tpu.vector_load %arg5[%get3A_109] {strides = array<i32>} : memref<448xi32, #tpu.memory_space<vmem>>, vector<16xi32>,
      %bitcast3A = vector.bitcast %get3A_110 : vector<16xi32> to vector<16xf32>
      %get3A_111 = arith.index_cast %add3A_106 : i32 to index
      %get3A_112 = tpu.vector_load %arg7[%get3A_111] {strides = array<i32>} : memref<400xi32, #tpu.memory_space<vmem>>, vector<16xi32>,
      %bitcast3A_113 = vector.bitcast %get3A_112 : vector<16xi32> to vector<16xf32>
      %eq3A_114 = arith.constant 0 : i32
      %eq3A_115 = vector.broadcast %eq3A_114 : i32 to vector<16xi32>
      %eq3A_116 = arith.cmpi eq, %get3A_108, %eq3A_115 : vector<16xi32>
      %jit3A_117 = arith.constant 0.000000e+00 : f32
      %broadcast_in_dim3A_118 = vector.broadcast %jit3A_117 : f32 to vector<16xf32>
      %select_n3A_119 = arith.select %eq3A_116, %broadcast_in_dim3A_118, %bitcast3A : vector<16xi1>, vector<16xf32>
      %mul3A_120 = arith.mulf %bitcast3A_113, %select_n3A_119 : vector<16xf32>
      %get3A_121 = arith.constant 0 : index
      %get3A_122 = tpu.vector_load %arg8[%get3A_121] {strides = array<i32>} : memref<16xf32, #tpu.memory_space<vmem>>, vector<16xf32>,
      %add3A_123 = arith.addf %get3A_122, %mul3A_120 : vector<16xf32>
      %swap3A_124 = arith.constant 0 : index
      %swap3A_125 = tpu.vector_load %arg8[%swap3A_124] {strides = array<i32>} : memref<16xf32, #tpu.memory_space<vmem>>, vector<16xf32>,
      tpu.vector_store %arg8[%swap3A_124], %add3A_123 {strides = array<i32>} : memref<16xf32, #tpu.memory_space<vmem>>, vector<16xf32>,
    }
    %scan3A_71 = arith.constant 25 : i32
    %scan3A_72 = arith.constant 0 : i32
    %scan3A_73 = arith.constant 7 : i32
    %scan3A_74 = arith.addi %scan3A_72, %scan3A_73 : i32
    %scan3A_75 = arith.constant 1 : i32
    scf.for %scan3A_102 = %scan3A_72 to %scan3A_74 step %scan3A_75  : i32 {
      %mul3A_103 = arith.constant 64 : i32
      %mul3A_104 = arith.muli %scan3A_102, %mul3A_103 : i32
      %add3A_105 = arith.constant 0 : i32
      %add3A_106 = arith.addi %add3A_105, %mul3A_104 : i32
      %mul3A_107 = arith.constant 4 : i32
      %mul3A_108 = vector.broadcast %mul3A_107 : i32 to vector<16xi32>
      %mul3A_109 = arith.muli %iota3A, %mul3A_108 : vector<16xi32>
      %add3A_110 = arith.constant 0 : i32
      %add3A_111 = arith.addi %add3A_106, %add3A_110 : i32
      %add3A_112 = vector.broadcast %add3A_111 : i32 to vector<16xi32>
      %add3A_113 = arith.addi %mul3A_109, %add3A_112 : vector<16xi32>
      %gather3A = tpu.vector_load_idx %arg5[%add3A_113] : memref<448xi32, #tpu.memory_space<vmem>>[vector<16xi32>], vector<16xi32>,
      %bitcast3A = vector.bitcast %gather3A : vector<16xi32> to vector<16xf32>
      %add3A_114 = arith.addf %broadcast_in_dim3A_1, %bitcast3A : vector<16xf32>
      %mul3A_115 = arith.constant 4 : i32
      %mul3A_116 = vector.broadcast %mul3A_115 : i32 to vector<16xi32>
      %mul3A_117 = arith.muli %iota3A, %mul3A_116 : vector<16xi32>
      %add3A_118 = arith.constant 1 : i32
      %add3A_119 = arith.addi %add3A_106, %add3A_118 : i32
      %add3A_120 = vector.broadcast %add3A_119 : i32 to vector<16xi32>
      %add3A_121 = arith.addi %mul3A_117, %add3A_120 : vector<16xi32>
      %gather3A_122 = tpu.vector_load_idx %arg5[%add3A_121] : memref<448xi32, #tpu.memory_space<vmem>>[vector<16xi32>], vector<16xi32>,
      %bitcast3A_123 = vector.bitcast %gather3A_122 : vector<16xi32> to vector<16xf32>
      %add3A_124 = arith.addf %add3A_114, %bitcast3A_123 : vector<16xf32>
      %mul3A_125 = arith.constant 4 : i32
      %mul3A_126 = vector.broadcast %mul3A_125 : i32 to vector<16xi32>
      %mul3A_127 = arith.muli %iota3A, %mul3A_126 : vector<16xi32>
      %add3A_128 = arith.constant 2 : i32
      %add3A_129 = arith.addi %add3A_106, %add3A_128 : i32
      %add3A_130 = vector.broadcast %add3A_129 : i32 to vector<16xi32>
      %add3A_131 = arith.addi %mul3A_127, %add3A_130 : vector<16xi32>
      %gather3A_132 = tpu.vector_load_idx %arg5[%add3A_131] : memref<448xi32, #tpu.memory_space<vmem>>[vector<16xi32>], vector<16xi32>,
      %bitcast3A_133 = vector.bitcast %gather3A_132 : vector<16xi32> to vector<16xf32>
      %add3A_134 = arith.addf %add3A_124, %bitcast3A_133 : vector<16xf32>
      %mul3A_135 = arith.constant 4 : i32
      %mul3A_136 = vector.broadcast %mul3A_135 : i32 to vector<16xi32>
      %mul3A_137 = arith.muli %iota3A, %mul3A_136 : vector<16xi32>
      %add3A_138 = arith.constant 3 : i32
      %add3A_139 = arith.addi %add3A_106, %add3A_138 : i32
      %add3A_140 = vector.broadcast %add3A_139 : i32 to vector<16xi32>
      %add3A_141 = arith.addi %mul3A_137, %add3A_140 : vector<16xi32>
      %gather3A_142 = tpu.vector_load_idx %arg5[%add3A_141] : memref<448xi32, #tpu.memory_space<vmem>>[vector<16xi32>], vector<16xi32>,
      %bitcast3A_143 = vector.bitcast %gather3A_142 : vector<16xi32> to vector<16xf32>
      %add3A_144 = arith.addf %add3A_134, %bitcast3A_143 : vector<16xf32>
      %get3A_145 = arith.constant 0 : index
      %get3A_146 = tpu.vector_load %arg9[%get3A_145] {strides = array<i32>} : memref<16xf32, #tpu.memory_space<vmem>>, vector<16xf32>,
      %ne3A = arith.constant 0.000000e+00 : f32
      %ne3A_147 = vector.broadcast %ne3A : f32 to vector<16xf32>
      %ne3A_148 = arith.cmpf one, %add3A_144, %ne3A_147 : vector<16xf32>
      %jit3A_149 = arith.constant 1.000000e+00 : f32
      %jit3A_150 = arith.constant 0.000000e+00 : f32
      %broadcast_in_dim3A_151 = vector.broadcast %jit3A_149 : f32 to vector<16xf32>
      %broadcast_in_dim3A_152 = vector.broadcast %jit3A_150 : f32 to vector<16xf32>
      %select_n3A_153 = arith.select %ne3A_148, %broadcast_in_dim3A_151, %broadcast_in_dim3A_152 : vector<16xi1>, vector<16xf32>
      %add3A_154 = arith.addf %get3A_146, %select_n3A_153 : vector<16xf32>
      %swap3A_155 = arith.constant 0 : index
      %swap3A_156 = tpu.vector_load %arg9[%swap3A_155] {strides = array<i32>} : memref<16xf32, #tpu.memory_space<vmem>>, vector<16xf32>,
      tpu.vector_store %arg9[%swap3A_155], %add3A_154 {strides = array<i32>} : memref<16xf32, #tpu.memory_space<vmem>>, vector<16xf32>,
    }
    %scan3A_76 = arith.constant 7 : i32
    %get3A = arith.constant 0 : index
    %get3A_77 = tpu.vector_load %arg8[%get3A] {strides = array<i32>} : memref<16xf32, #tpu.memory_space<vmem>>, vector<16xf32>,
    %reduce_sum3A = arith.constant true
    %reduce_sum3A_78 = vector.broadcast %reduce_sum3A : i1 to vector<16xi1>
    %reduce_sum3A_79 = tpu.scan <sum>, %get3A_77 masked %reduce_sum3A_78 : vector<16xf32>, vector<16xi1> -> vector<16xf32>
    %reduce_sum3A_80 = vector.extract %reduce_sum3A_79[15] : f32 from vector<16xf32>
    %get3A_81 = arith.constant 0 : index
    %get3A_82 = tpu.vector_load %arg9[%get3A_81] {strides = array<i32>} : memref<16xf32, #tpu.memory_space<vmem>>, vector<16xf32>,
    %reduce_sum3A_83 = arith.constant true
    %reduce_sum3A_84 = vector.broadcast %reduce_sum3A_83 : i1 to vector<16xi1>
    %reduce_sum3A_85 = tpu.scan <sum>, %get3A_82 masked %reduce_sum3A_84 : vector<16xf32>, vector<16xi1> -> vector<16xf32>
    %reduce_sum3A_86 = vector.extract %reduce_sum3A_85[15] : f32 from vector<16xf32>
    %eq3A = arith.constant 0 : i32
    %eq3A_87 = vector.broadcast %eq3A : i32 to vector<16xi32>
    %eq3A_88 = arith.cmpi eq, %iota3A, %eq3A_87 : vector<16xi32>
    %neg3A = arith.constant 0.000000e+00 : f32
    %neg3A_89 = arith.subf %neg3A, %reduce_sum3A_80 : f32
    %jit3A = arith.constant 0.000000e+00 : f32
    %broadcast_in_dim3A_90 = vector.broadcast %neg3A_89 : f32 to vector<16xf32>
    %broadcast_in_dim3A_91 = vector.broadcast %jit3A : f32 to vector<16xf32>
    %select_n3A = arith.select %eq3A_88, %broadcast_in_dim3A_90, %broadcast_in_dim3A_91 : vector<16xi1>, vector<16xf32>
    %eq3A_92 = arith.constant 1 : i32
    %eq3A_93 = vector.broadcast %eq3A_92 : i32 to vector<16xi32>
    %eq3A_94 = arith.cmpi eq, %iota3A, %eq3A_93 : vector<16xi32>
    %jit3A_95 = arith.constant 0.000000e+00 : f32
    %broadcast_in_dim3A_96 = vector.broadcast %reduce_sum3A_86 : f32 to vector<16xf32>
    %broadcast_in_dim3A_97 = vector.broadcast %jit3A_95 : f32 to vector<16xf32>
    %select_n3A_98 = arith.select %eq3A_94, %broadcast_in_dim3A_96, %broadcast_in_dim3A_97 : vector<16xi1>, vector<16xf32>
    %add3A_99 = arith.addf %select_n3A, %select_n3A_98 : vector<16xf32>
    %swap3A_100 = arith.constant 0 : index
    %swap3A_101 = tpu.vector_load %arg10[%swap3A_100] {strides = array<i32>} : memref<16xf32, #tpu.memory_space<vmem>>, vector<16xf32>,
    tpu.vector_store %arg10[%swap3A_100], %add3A_99 {strides = array<i32>} : memref<16xf32, #tpu.memory_space<vmem>>, vector<16xf32>,
    "tpu.region"() ({
      %run_scoped3A = tpu.sem_alloc : memref<!tpu.dma_semaphore, #tpu.memory_space<semaphore_mem>>
      %dma_start3A_102 = arith.constant 0 : i32
      %dma_start3A_103 = tpu.memref_slice %arg3[%add3A, %dma_start3A_102] : memref<32x16xf32, #tpu.memory_space<hbm>> -> memref<1x16xf32, #tpu.memory_space<hbm>>
      %dma_start3A_104 = tpu.memref_squeeze %dma_start3A_103 : memref<1x16xf32, #tpu.memory_space<hbm>> -> memref<16xf32, #tpu.memory_space<hbm>>
      %dma_start3A_105 = arith.constant 0 : i32
      %dma_start3A_106 = tpu.memref_slice %arg3[%add3A, %dma_start3A_105] : memref<32x16xf32, #tpu.memory_space<hbm>> -> memref<1x16xf32, #tpu.memory_space<hbm>>
      %dma_start3A_107 = tpu.memref_squeeze %dma_start3A_106 : memref<1x16xf32, #tpu.memory_space<hbm>> -> memref<16xf32, #tpu.memory_space<hbm>>
      tpu.enqueue_dma source(%arg10 : memref<16xf32, #tpu.memory_space<vmem>>) target(%dma_start3A_107 : memref<16xf32, #tpu.memory_space<hbm>>) target_semaphore(%run_scoped3A : memref<!tpu.dma_semaphore, #tpu.memory_space<semaphore_mem>>)
      %dma_wait3A_108 = arith.constant 0 : i32
      %dma_wait3A_109 = tpu.memref_slice %arg3[%add3A, %dma_wait3A_108] : memref<32x16xf32, #tpu.memory_space<hbm>> -> memref<1x16xf32, #tpu.memory_space<hbm>>
      %dma_wait3A_110 = tpu.memref_squeeze %dma_wait3A_109 : memref<1x16xf32, #tpu.memory_space<hbm>> -> memref<16xf32, #tpu.memory_space<hbm>>
      %dma_wait3A_111 = arith.constant 0 : i32
      %dma_wait3A_112 = tpu.memref_slice %arg3[%add3A, %dma_wait3A_111] : memref<32x16xf32, #tpu.memory_space<hbm>> -> memref<1x16xf32, #tpu.memory_space<hbm>>
      %dma_wait3A_113 = tpu.memref_squeeze %dma_wait3A_112 : memref<1x16xf32, #tpu.memory_space<hbm>> -> memref<16xf32, #tpu.memory_space<hbm>>
      tpu.wait_dma2 semaphore(%run_scoped3A : memref<!tpu.dma_semaphore, #tpu.memory_space<semaphore_mem>>) src(%arg10 : memref<16xf32, #tpu.memory_space<vmem>>) dst(%dma_wait3A_113 : memref<16xf32, #tpu.memory_space<hbm>>)
      tpu.yield
    }) : () -> ()
    return
  }
}

module attributes {stable_mosaic.version = 14 : i64} {
  func.func @_tc_nll_body(%arg0: i32, %arg1: memref<10x32x10000xf32, #tpu.memory_space<vmem>>, %arg2: memref<32x100xi32, #tpu.memory_space<vmem>>, %arg3: memref<32x100xf32, #tpu.memory_space<vmem>>, %arg4: memref<8x128xf32, #tpu.memory_space<vmem>>, %arg5: memref<100x32xi32, #tpu.memory_space<vmem>>, %arg6: memref<100x32xf32, #tpu.memory_space<vmem>>) attributes {dimension_semantics = [#tpu.dimension_semantics<arbitrary>], iteration_bounds = array<i64: 10>, scalar_prefetch = 0 : i64, scratch_operands = 2 : i64, tpu.core_type = #tpu.core_type<tc>, window_params = [{transform_indices = @transform_0, window_bounds = array<i64: 10, 32, 10000>}, {pipeline_mode = #tpu.pipeline_mode<synchronous>, transform_indices = @transform_1, window_bounds = array<i64: 32, 100>}, {pipeline_mode = #tpu.pipeline_mode<synchronous>, transform_indices = @transform_2, window_bounds = array<i64: 32, 100>}, {pipeline_mode = #tpu.pipeline_mode<synchronous>, transform_indices = @transform_3, window_bounds = array<i64: 8, 128>}]} {
    %eq3A = arith.constant 0 : i32
    %eq3A_0 = arith.cmpi eq, %arg0, %eq3A : i32
    %convert_element_type3A = arith.extui %eq3A_0 : i1 to i32
    %cond3A = arith.constant 0 : i32
    %cond3A_1 = arith.cmpi ne, %convert_element_type3A, %cond3A : i32
    scf.if %cond3A_1 {
      %broadcast_in_dim3A_58 = arith.constant 0.000000e+00 : f32
      %broadcast_in_dim3A_59 = vector.broadcast %broadcast_in_dim3A_58 : f32 to vector<8x128xf32>
      %swap3A_60 = arith.constant 0 : index
      %swap3A_61 = arith.constant 0 : index
      %swap3A_62 = vector.load %arg4[%swap3A_60, %swap3A_61] : memref<8x128xf32, #tpu.memory_space<vmem>>, vector<8x128xf32>
      tpu.vector_store %arg4[%swap3A_60, %swap3A_61], %broadcast_in_dim3A_59 {strides = array<i32>} : memref<8x128xf32, #tpu.memory_space<vmem>>, vector<8x128xf32>,
      %get3A_63 = arith.constant 0 : index
      %get3A_64 = arith.constant 0 : index
      %get3A_65 = vector.load %arg2[%get3A_63, %get3A_64] : memref<32x100xi32, #tpu.memory_space<vmem>>, vector<32x100xi32>
      %transpose3A = tpu.transpose %get3A_65, [1, 0] : vector<32x100xi32> -> vector<100x32xi32>
      %swap3A_66 = arith.constant 0 : index
      %swap3A_67 = arith.constant 0 : index
      %swap3A_68 = vector.load %arg5[%swap3A_66, %swap3A_67] : memref<100x32xi32, #tpu.memory_space<vmem>>, vector<100x32xi32>
      tpu.vector_store %arg5[%swap3A_66, %swap3A_67], %transpose3A {strides = array<i32>} : memref<100x32xi32, #tpu.memory_space<vmem>>, vector<100x32xi32>,
      %get3A_69 = arith.constant 0 : index
      %get3A_70 = arith.constant 0 : index
      %get3A_71 = vector.load %arg3[%get3A_69, %get3A_70] : memref<32x100xf32, #tpu.memory_space<vmem>>, vector<32x100xf32>
      %transpose3A_72 = tpu.transpose %get3A_71, [1, 0] : vector<32x100xf32> -> vector<100x32xf32>
      %swap3A_73 = arith.constant 0 : index
      %swap3A_74 = arith.constant 0 : index
      %swap3A_75 = vector.load %arg6[%swap3A_73, %swap3A_74] : memref<100x32xf32, #tpu.memory_space<vmem>>, vector<100x32xf32>
      tpu.vector_store %arg6[%swap3A_73, %swap3A_74], %transpose3A_72 {strides = array<i32>} : memref<100x32xf32, #tpu.memory_space<vmem>>, vector<100x32xf32>,
    } else {
    }
    %get3A = arith.constant 0 : index
    %get3A_2 = arith.constant 0 : index
    %get3A_3 = arith.constant 0 : index
    %get3A_4 = vector.load %arg1[%get3A, %get3A_2, %get3A_3] : memref<10x32x10000xf32, #tpu.memory_space<vmem>>, vector<10x32x10000xf32>
    %mul3A = arith.constant 10 : i32
    %mul3A_5 = arith.muli %arg0, %mul3A : i32
    %get3A_6 = arith.index_cast %mul3A_5 : i32 to index
    %get3A_7 = arith.constant 0 : index
    %get3A_8 = vector.load %arg5[%get3A_6, %get3A_7] : memref<100x32xi32, #tpu.memory_space<vmem>>, vector<10x32xi32>
    %mul3A_9 = arith.constant 10 : i32
    %mul3A_10 = arith.muli %arg0, %mul3A_9 : i32
    %get3A_11 = arith.index_cast %mul3A_10 : i32 to index
    %get3A_12 = arith.constant 0 : index
    %get3A_13 = vector.load %arg6[%get3A_11, %get3A_12] : memref<100x32xf32, #tpu.memory_space<vmem>>, vector<10x32xf32>
    %iota3A = tpu.iota {dimensions = array<i32: 2>} : vector<10x32x10000xi32>
    %broadcast_in_dim3A = vector.shape_cast %get3A_8 : vector<10x32xi32> to vector<10x32x1xi32>
    %eq3A_14 = vector.broadcast %broadcast_in_dim3A : vector<10x32x1xi32> to vector<10x32x10000xi32>
    %eq3A_15 = arith.cmpi eq, %iota3A, %eq3A_14 : vector<10x32x10000xi32>
    %jit3A = arith.constant 0.000000e+00 : f32
    %broadcast_in_dim3A_16 = vector.broadcast %jit3A : f32 to vector<10x32x10000xf32>
    %select_n3A = arith.select %eq3A_15, %get3A_4, %broadcast_in_dim3A_16 : vector<10x32x10000xi1>, vector<10x32x10000xf32>
    %reduce_sum3A = arith.constant dense<0.000000e+00> : vector<10x32xf32>
    %reduce_sum3A_17 = vector.multi_reduction <add>, %select_n3A, %reduce_sum3A [2] : vector<10x32x10000xf32> to vector<10x32xf32>
    %mul3A_18 = arith.mulf %reduce_sum3A_17, %get3A_13 : vector<10x32xf32>
    %reduce_sum3A_19 = vector.shape_cast %mul3A_18 : vector<10x32xf32> to vector<1x10x32xf32>
    %reduce_sum3A_20 = arith.constant dense<0.000000e+00> : vector<1xf32>
    %reduce_sum3A_21 = vector.multi_reduction <add>, %reduce_sum3A_19, %reduce_sum3A_20 [1, 2] : vector<1x10x32xf32> to vector<1xf32>
    %reduce_sum3A_22 = vector.shape_cast %reduce_sum3A_21 : vector<1xf32> to vector<1x1x1xf32>
    %reduce_sum3A_23 = vector.extract %reduce_sum3A_22[0, 0, 0] : f32 from vector<1x1x1xf32>
    %reduce_sum3A_24 = vector.shape_cast %get3A_13 : vector<10x32xf32> to vector<1x10x32xf32>
    %reduce_sum3A_25 = arith.constant dense<0.000000e+00> : vector<1xf32>
    %reduce_sum3A_26 = vector.multi_reduction <add>, %reduce_sum3A_24, %reduce_sum3A_25 [1, 2] : vector<1x10x32xf32> to vector<1xf32>
    %reduce_sum3A_27 = vector.shape_cast %reduce_sum3A_26 : vector<1xf32> to vector<1x1x1xf32>
    %reduce_sum3A_28 = vector.extract %reduce_sum3A_27[0, 0, 0] : f32 from vector<1x1x1xf32>
    %iota3A_29 = tpu.iota {dimensions = array<i32: 0>} : vector<8x128xi32>
    %iota3A_30 = tpu.iota {dimensions = array<i32: 1>} : vector<8x128xi32>
    %get3A_31 = arith.constant 0 : index
    %get3A_32 = arith.constant 0 : index
    %get3A_33 = vector.load %arg4[%get3A_31, %get3A_32] : memref<8x128xf32, #tpu.memory_space<vmem>>, vector<8x128xf32>
    %eq3A_34 = arith.constant 0 : i32
    %eq3A_35 = vector.broadcast %eq3A_34 : i32 to vector<8x128xi32>
    %eq3A_36 = arith.cmpi eq, %iota3A_29, %eq3A_35 : vector<8x128xi32>
    %eq3A_37 = arith.constant 0 : i32
    %eq3A_38 = vector.broadcast %eq3A_37 : i32 to vector<8x128xi32>
    %eq3A_39 = arith.cmpi eq, %iota3A_30, %eq3A_38 : vector<8x128xi32>
    %and3A = arith.andi %eq3A_36, %eq3A_39 : vector<8x128xi1>
    %jit3A_40 = arith.constant 0.000000e+00 : f32
    %broadcast_in_dim3A_41 = vector.broadcast %reduce_sum3A_23 : f32 to vector<8x128xf32>
    %broadcast_in_dim3A_42 = vector.broadcast %jit3A_40 : f32 to vector<8x128xf32>
    %select_n3A_43 = arith.select %and3A, %broadcast_in_dim3A_41, %broadcast_in_dim3A_42 : vector<8x128xi1>, vector<8x128xf32>
    %eq3A_44 = arith.constant 0 : i32
    %eq3A_45 = vector.broadcast %eq3A_44 : i32 to vector<8x128xi32>
    %eq3A_46 = arith.cmpi eq, %iota3A_29, %eq3A_45 : vector<8x128xi32>
    %eq3A_47 = arith.constant 1 : i32
    %eq3A_48 = vector.broadcast %eq3A_47 : i32 to vector<8x128xi32>
    %eq3A_49 = arith.cmpi eq, %iota3A_30, %eq3A_48 : vector<8x128xi32>
    %and3A_50 = arith.andi %eq3A_46, %eq3A_49 : vector<8x128xi1>
    %jit3A_51 = arith.constant 0.000000e+00 : f32
    %broadcast_in_dim3A_52 = vector.broadcast %reduce_sum3A_28 : f32 to vector<8x128xf32>
    %broadcast_in_dim3A_53 = vector.broadcast %jit3A_51 : f32 to vector<8x128xf32>
    %select_n3A_54 = arith.select %and3A_50, %broadcast_in_dim3A_52, %broadcast_in_dim3A_53 : vector<8x128xi1>, vector<8x128xf32>
    %add3A = arith.addf %select_n3A_43, %select_n3A_54 : vector<8x128xf32>
    %add3A_55 = arith.addf %get3A_33, %add3A : vector<8x128xf32>
    %swap3A = arith.constant 0 : index
    %swap3A_56 = arith.constant 0 : index
    %swap3A_57 = vector.load %arg4[%swap3A, %swap3A_56] : memref<8x128xf32, #tpu.memory_space<vmem>>, vector<8x128xf32>
    tpu.vector_store %arg4[%swap3A, %swap3A_56], %add3A_55 {strides = array<i32>} : memref<8x128xf32, #tpu.memory_space<vmem>>, vector<8x128xf32>,
    return
  }
  func.func @transform_0(%arg0: i32) -> (i32, i32, i32) {
    %c0_i32 = arith.constant 0 : i32
    %c0_i32_0 = arith.constant 0 : i32
    %c0_i32_1 = arith.constant 0 : i32
    return %arg0, %c0_i32, %c0_i32_0 : i32, i32, i32
  }
  func.func @transform_1(%arg0: i32) -> (i32, i32) {
    %c0_i32 = arith.constant 0 : i32
    %c0_i32_0 = arith.constant 0 : i32
    %c0_i32_1 = arith.constant 0 : i32
    return %c0_i32, %c0_i32_0 : i32, i32
  }
  func.func @transform_2(%arg0: i32) -> (i32, i32) {
    %c0_i32 = arith.constant 0 : i32
    %c0_i32_0 = arith.constant 0 : i32
    %c0_i32_1 = arith.constant 0 : i32
    return %c0_i32, %c0_i32_0 : i32, i32
  }
  func.func @transform_3(%arg0: i32) -> (i32, i32) {
    %c0_i32 = arith.constant 0 : i32
    %c0_i32_0 = arith.constant 0 : i32
    %c0_i32_1 = arith.constant 0 : i32
    return %c0_i32, %c0_i32_0 : i32, i32
  }
}

</mosaic_0001>

<sc_bundles>
// kernel: kernel.4.cloned.1.call-start
scs
__scs_entry_jumppad:
0x0: {  	(pc) =	sbr.rel $0x88, $3  }
0x1: {  	(tag) =	ssettag $0x0;
	lr =	simm.s32 $0x1  }
0x2: {  	[smem:$0x3F9B] =	sst lr;
	_ =	strace $0xD0000000  }
0x3: {  	_ = 	snop  }
0x4: {  	_ = 	snop  }
0x5: {  	_ = 	snop  }
0x6: {  	_ = 	snop  }
0x7: {  	_ = 	snop  }
__scs_overlays_trampoline_lowered:
0x8: {  	[smem:$0x3FAA] =	sst s0  }
0x9: {  	[smem:$0x3FAB] =	sst s1  }
0xa: {  	[smem:$0x3FAC] =	sst s2  }
0xb: {  	[smem:$0x3FAD] =	sst s3  }
0xc: {  	[smem:$0x3FAE] =	sst s4  }
0xd: {  	[smem:$0x3FAF] =	sst s5  }
0xe: {  	[smem:$0x3FB0] =	sst s6  }
0xf: {  	[smem:$0x3FB1] =	sst s7  }
0x10: {  	[smem:$0x3FB2] =	sst s8  }
0x11: {  	[smem:$0x3FB3] =	sst s9;
	s0 =	simm.s32 @!p0 $0x0  }
0x12: {  	s1 =	sld [smem:$0x3F99];
	s0 =	simm.s32 @p0 $0x1  }
0x13: {  	[smem:$0x3FB4] =	sst s0;
	s0 =	simm.s32 @!p1 $0x0  }
0x14: {  	s2 =	sld [smem:$0x3F98];
	s0 =	simm.s32 @p1 $0x1  }
0x15: {  	[smem:$0x3FB5] =	sst s0;
	s0 =	simm.s32 @!p2 $0x0  }
0x16: {  	s3 =	sld [smem:$0x3FDB];
	s0 =	simm.s32 @p2 $0x1  }
0x17: {  	s4 =	simm.s32 $0x1BF5;
	[smem:$0x3FB7] =	sst s0  }
0x18: {  	s0 =	sld [smem:$0x3F9A];
	_ =	swait.ge [sflag:s4], $0x0  }
0x19: {  	s7 =	sld [smem:$0x3F9B]  }
0x1a: {  	s8 =	sadd.s32 $0xFFFFE003, lr  }
0x1b: {  	s9 =	sadd.s32 $0xFFFFFEF7, lr;
	s5 =	simm.s32 $0xFFFFFFFF;
	p2 =	slt.u32 s8, $0xFFFFF086  }
0x1c: {  	p1 =	slt.u32 s9, $0xF7A;
	s5 =	simm.s32 @!p2 $0x0  }
0x1d: {  	s5 =	simm.s32 @p1 $0x1;
	p0 =	seq.s32 s7, s2  }
0x1e: {  	s7 =	smul.u32 @!p0 $0xF7A, s2;
	p2 =	seq.s32 @!p0 s5, $0x0  }
0x1f: {  	s9 =	smul.u32 $0xF7A, s1;
	s8 =	simm.s32 @!p0 $0x1BF5;
	p2 =	por !p2, p0  }
0x20: {  	[sflag:s8] =	ssyncset.s32 @!p0 $0xFFFFF086;
	s6 =	sadd.s32 @!p0 s3, s7;
	s7 =	simm.s32 @!p0 $0x108  }
0x21: {  	s3 =	sadd.s32 s3, s9;
	s6 =	sadd.s32 @!p0 $0x88, s6;
	s7 =	simm.s32 @p2 $0x1082  }
0x22: {  	[simem:s7], [sflag:s8] =	dma.local @!p0 [hbm:s6], $0xF7A  }
0x23: {  	s9 =	sor.u32 $0xD0000000, s2;
	s6 =	simm.s32 $0x108;
	_ =	swait.ge @!p0 [sflag:s8], $0x0  }
0x24: {  	s3 =	sadd.s32 $0x88, s3;
	s6 =	simm.s32 @!p1 $0x1082;
	[sflag:s4] =	ssyncset.s32 $0xFFFFF086  }
0x25: {  	[simem:s6], [sflag:s4] =	dma.local [hbm:s3], $0xF7A  }
0x26: {  	[smem:$0x3F9B] =	sst s1;
	(tag) =	ssettag s2;
	_ =	strace s9  }
0x27: {  	s1 =	sld [smem:$0x3FAB]  }
0x28: {  	s2 =	sld [smem:$0x3FAC]  }
0x29: {  	s4 =	sld [smem:$0x3FAE]  }
0x2a: {  	p0 =	seq.s32 s5, $0x0;
	s5 =	sld [smem:$0x3FAF]  }
0x2b: {  	s6 =	sld [smem:$0x3FB0]  }
0x2c: {  	s7 =	sld [smem:$0x3FB1]  }
0x2d: {  	s3 =	simm.s32 $0x108;
	s8 =	sld [smem:$0x3FB2]  }
0x2e: {  	s3 =	simm.s32 @!p0 $0x1082;
	s9 =	sld [smem:$0x3FB3]  }
0x2f: {  	lr =	sadd.s32 s0, s3;
	s0 =	sld [smem:$0x3FAA]  }
0x30: {  	s3 =	sld [smem:$0x3FAD]  }
0x31: {  	[smem:$0x3FB6] =	sst s10  }
0x32: {  	s10 =	sld [smem:$0x3FB4];
	_ =	sdelay $0x3  }
0x33: {  	p0 =	seq.s32 s10, $0x1;
	s10 =	sld [smem:$0x3FB6];
	_ =	sdelay $0x3  }
0x34: {  	[smem:$0x3FB6] =	sst s10  }
0x35: {  	s10 =	sld [smem:$0x3FB5];
	_ =	sdelay $0x3  }
0x36: {  	p1 =	seq.s32 s10, $0x1;
	s10 =	sld [smem:$0x3FB6];
	_ =	sdelay $0x3  }
0x37: {  	[smem:$0x3FB6] =	sst s10  }
0x38: {  	s10 =	sld [smem:$0x3FB7]  }
0x39: {  	_ = 	snop;
	(pc) =	sbr.ind lr, $3  }
0x3a: {  	_ = 	snop  }
0x3b: {  	_ = 	snop  }
0x3c: {  	p2 =	seq.s32 s10, $0x1;
	s10 =	sld [smem:$0x3FB6]  }
0x3d: {  	_ =	shalt  }
0x3e: {  	_ =	shalt  }
0x3f: {  	_ =	shalt  }
0x40: {  	_ =	shalt  }
0x41: {  	_ =	shalt  }
0x42: {  	_ =	shalt  }
0x43: {  	_ =	shalt  }
0x44: {  	_ =	shalt  }
0x45: {  	_ =	shalt  }
0x46: {  	_ =	shalt  }
0x47: {  	_ =	shalt  }
0x48: {  	_ =	shalt  }
0x49: {  	_ =	shalt  }
0x4a: {  	_ =	shalt  }
0x4b: {  	_ =	shalt  }
0x4c: {  	_ =	shalt  }
0x4d: {  	_ =	shalt  }
0x4e: {  	_ =	shalt  }
0x4f: {  	_ =	shalt  }
0x50: {  	_ =	shalt  }
0x51: {  	_ =	shalt  }
0x52: {  	_ =	shalt  }
0x53: {  	_ =	shalt  }
0x54: {  	_ =	shalt  }
0x55: {  	_ =	shalt  }
0x56: {  	_ =	shalt  }
0x57: {  	_ =	shalt  }
0x58: {  	_ =	shalt  }
0x59: {  	_ =	shalt  }
0x5a: {  	_ =	shalt  }
0x5b: {  	_ =	shalt  }
0x5c: {  	_ =	shalt  }
0x5d: {  	_ =	shalt  }
0x5e: {  	_ =	shalt  }
0x5f: {  	_ =	shalt  }
0x60: {  	_ =	shalt  }
0x61: {  	_ =	shalt  }
0x62: {  	_ =	shalt  }
0x63: {  	_ =	shalt  }
0x64: {  	_ =	shalt  }
0x65: {  	_ =	shalt  }
0x66: {  	_ =	shalt  }
0x67: {  	_ =	shalt  }
0x68: {  	_ =	shalt  }
0x69: {  	_ =	shalt  }
0x6a: {  	_ =	shalt  }
0x6b: {  	_ =	shalt  }
0x6c: {  	_ =	shalt  }
0x6d: {  	_ =	shalt  }
0x6e: {  	_ =	shalt  }
0x6f: {  	_ =	shalt  }
0x70: {  	_ =	shalt  }
0x71: {  	_ =	shalt  }
0x72: {  	_ =	shalt  }
0x73: {  	_ =	shalt  }
0x74: {  	_ =	shalt  }
0x75: {  	_ =	shalt  }
0x76: {  	_ =	shalt  }
0x77: {  	_ =	shalt  }
0x78: {  	_ =	shalt  }
0x79: {  	_ =	shalt  }
0x7a: {  	_ =	shalt  }
0x7b: {  	_ =	shalt  }
0x7c: {  	_ =	shalt  }
0x7d: {  	_ =	shalt  }
0x7e: {  	_ =	shalt  }
0x7f: {  	_ =	shalt  }
0x80: {  	_ =	shalt  }
0x81: {  	_ =	shalt  }
0x82: {  	_ =	shalt  }
0x83: {  	_ =	shalt  }
0x84: {  	_ =	shalt  }
0x85: {  	_ =	shalt  }
0x86: {  	_ =	shalt  }
0x87: {  	_ =	shalt  }
.Lfunc_end0:
.L_simem_size_0:
called_computation_lowered:
.L_overlay_start_0:
0x88: {  	s2 =	sld [smem:$0x3FD9]  }
0x89: {  	s3 =	sld [smem:$0x3FFE];
	_ =	sdelay $0x1  }
0x8a: {  	s1 =	srdreg.scid  }
0x8b: {  	s0 =	sand.u32 $0x1, s1  }
0x8c: {  	s16 =	sshll.u32 s0, $0xA;
	s2 =	sadd.s32 s3, s2  }
0x8d: {  	s2 =	sadd.s32 s2, s16  }
0x8e: {  	[smem:$0x3FC2] =	sst s2  }
0x8f: {  	_ = 	snop  }
0x90: {  	(tm) =	ssettm $0x1  }
0x91: {  	s17 =	sld [smem:$0x3FFB];
	_ =	sdelay $0x3  }
0x92: {  	_ =	strace s17  }
0x93: {  	s2 =	sld [smem:$0x3FFC];
	_ =	sdelay $0x3  }
0x94: {  	_ =	strace s2  }
0x95: {  	s2 =	sld [smem:$0x3FFD];
	_ =	sdelay $0x3  }
0x96: {  	_ =	strace s2  }
0x97: {  	_ =	strace $0x8FFFFFFF  }
0x98: {  	s18 =	sld [smem:$0x3FDB];
	_ =	sdelay $0x1  }
0x99: {  	s19 =	simm.s32 $_scs_section_size  }
0x9a: {  	s4 =	simm.s32 $_size__tile_overlayer_lowered;
	s5 =	simm.s32 $_tile_overlayer_lowered  }
0x9b: {  	s22 =	simm.s32 $0x1BFF;
	s21 =	sshll.u32 s5, $0x1;
	s2 =	sadd.s32 s19, s18  }
0x9c: {  	s6 =	simm.s32 $0x0;
	s20 =	sshll.u32 s4, $0x1;
	s4 =	sadd.s32 s21, s2  }
0x9d: {  	[timem:s6], [sflag:s22] =	dma.local [hbm:s4], s20  }
0x9e: {  	_ =	swait.ge [sflag:s22], s20  }
0x9f: {  	s3 =	ssub.s32 $0x0, s20;
	[sflag:s22] =	ssyncset.done $0x0  }
0xa0: {  	[sflag:s22] =	ssyncadd.s32 s3;
	_ =	sdelay $0x1  }
0xa1: {  	s23 =	simm.s32 $0x1B8B  }
0xa2: {  	_ =	swait.ge [sflag:s23], $0x1  }
0xa3: {  	[sflag:s23] =	ssyncset.done $0x0  }
0xa4: {  	s25 =	simm.s32 $0x1B8E;
	s24 =	sld [smem:$0x3FFE];
	[sflag:s23] =	ssyncadd.s32 $0xFFFFFFFF  }
0xa5: {  	s26 =	simm.s32 $execute0_lowered;
	[smem:$0x3FD2] =	sst s25  }
0xa6: {  	s4 =	sshll.u32 s26, $0x1;
	_ =	strace $0x80000046;
	[dreg:$0x1] =	wrdreg $0xFFFFFFFF  }
0xa7: {  	s28 =	simm.s32 $_size_execute0_lowered;
	s2 =	sadd.s32 s2, s4;
	[dreg:$0x0] =	wrdreg $0x0  }
0xa8: {  	s4 =	sshll.u32 s28, $0x1;
	[dreg:$0x2] =	wrdreg s2  }
0xa9: {  	[dreg:$0x3] =	wrdreg s4  }
0xaa: {  	[dreg:$0x4] =	wrdreg $0xC0  }
0xab: {  	_ =	task [dreg:s6], $0x5FFFF  }
0xac: {  	[dreg:$0x1] =	wrdreg $0xFFFFFFFF  }
0xad: {  	[dreg:$0x0] =	wrdreg $0x60  }
0xae: {  	[dreg:$0x2] =	wrdreg s24  }
0xaf: {  	[dreg:$0x3] =	wrdreg $0x9  }
0xb0: {  	_ =	task.clear_ibuf [dreg:s6], $0x4FFFF;
	_ =	strace $0x90000046  }
0xb1: {  	s29 =	simm.s32 $0x9;
	_ =	strace $0x80000048  }
0xb2: {  	_ =	swait.ge [sflag:s29], $0x1  }
0xb3: {  	[sflag:s29] =	ssyncadd.s32 $0xFFFFFFFF  }
0xb4: {  	_ =	strace $0x90000048  }
0xb5: {  	_ =	sfence  }
0xb6: {  	s30 =	sld [smem:$0x0];
	_ =	sdelay $0x2  }
0xb7: {  	s31 =	sshll.u32 s1, $0xD;
	s1 =	sshrl.u32 s1, $0x2  }
0xb8: {  	s3 =	sand.u32 $0x4000, s31;
	s1 =	sadd.s32 s1, s30  }
0xb9: {  	s0 =	sor.u32 s3, s0;
	s1 =	sshll.u32 s1, $0x11  }
0xba: {  	s0 =	sor.u32 s1, s0  }
0xbb: {  	s0 =	sadd.s32 $0x8F2B, s0  }
0xbc: {  	[sflag:s0] =	ssyncadd.remote.s32 $0x1  }
0xbd: {  	_ =	sfence.sel $0xFFFF  }
0xbe: {  	[dreg:$0x0] =	wrdreg $0xFFFFFFFF;
	(pc) =	sbr.abs _section_cstart, $3  }
0xbf: {  	[dreg:$0x1] =	wrdreg $0xFFFFFFFF  }
0xc0: {  	_ =	task.clear_ibuf [dreg:s6], $0x2FFFF;
	_ =	strace $0x9FFFFFFF  }
0xc1: {  	(tm) =	ssettm $0x7FFFFFFF  }
tec
execute0_lowered:
.L_overlay_start_1:
0x0: {  	(tag) =	ssettag $0x1  }
0x1: {  	s1 =	srdreg.scid  }
0x2: {  	s0 =	stileid.u32;
	s5 =	rddreg [dreg:$0x0];
	s2 =	simm.s32 $0x0  }
0x3: {  	s12 =	simm.s32 $0x400;
	s13 =	simm.s32 $0x600;
	s14 =	simm.s32 $0x480  }
0x4: {  	s15 =	simm.s32 $0x680;
	s16 =	simm.s32 $0x500;
	s17 =	simm.s32 $0x700  }
0x5: {  	s18 =	simm.s32 $0x10;
	s19 =	simm.s32 $0x580;
	s20 =	simm.s32 $0x780  }
0x6: {  	s21 =	simm.s32 $0x1;
	s22 =	simm.s32 $0x900;
	s23 =	simm.s32 $0x0  }
0x7: {  	s6 =	sand.u32 $0x1, s1;
	s3 =	sshll.u32 s0, $0x1;
	s1 =	rddreg [dreg:$0x1]  }
0x8: {  	[smem:$0x7FF] =	sst s2;
	s10 =	smul.u32 $0x320, s0;
	s4 =	sor.u32 s6, s3  }
0x9: {  	_ =	strace $0x80000047;
	s3 =	sadd.s32 $0xC00, s5;
	s11 =	smul.u32 $0x190, s6  }
0xa: {  	s9 =	ssub.s32 $0x2, s6;
	s7 =	smul.u32 $0x190, s4;
	s8 =	sshll.u32 s4, $0x4  }
0xb: {  	s30 =	sshrl.u32 s9, $0x1;
	s31 =	sadd.s32 s8, s5;
	s8 =	sadd.s32 s11, s10  }
0xc: {  	v1 =	vlaneseq.u32;
	s10 =	simm.s32 $0x200;
	s11 =	simm.s32 $0x80;
	s29 =	sshrl.u32 s7, $0x3  }
0xd: {  	v0 =	vimm.s32 $0x0;
	v3 =	vmul.u32 $0x4, v1;
	s7 =	ssub.s32 s9, s30;
	s6 =	sadd.s32 $0x6800, s31;
	s4 =	sadd.s32 s3, s29  }
0xe: {  	v2 =	vimm.f32 $0.0e+00;
	vm0 =	vcmask $0x300;
	vm1 =	vcmask $0x704;
	s9 =	simm.s32 $0x2;
	s7 =	smax.u32 s7, $0x1;
	s5 =	sadd.s32 $0x640, s4  }
.LBB2_1:
0xf: {  	[tilespmem:s2], [sflag:$0x2] =	stream.linear.gather [hbm4b:s4+s2], $0x190, $0x38;
	[tilespmem:$0x980] =	vst v63  }
0x10: {  	_ =	swait.ge [sflag:s9], $0x190  }
0x11: {  	[sflag:s9] =	ssyncset.done $0x0  }
0x12: {  	[sflag:s9] =	ssyncadd.s32 $0xFFFFFE70  }
0x13: {  	[tilespmem:s10], [sflag:$0x2] =	stream.linear.gather [hbm4b:s5+s2], $0x190, $0x38;
	[tilespmem:$0x980] =	vst v63  }
0x14: {  	_ =	swait.ge [sflag:s9], $0x190  }
0x15: {  	[sflag:s9] =	ssyncset.done $0x0  }
0x16: {  	[sflag:s9] =	ssyncadd.s32 $0xFFFFFE70  }
0x17: {  	[tilespmem:$0x390] =	vst v0  }
0x18: {  	[tilespmem:$0x3A0] =	vst v0  }
0x19: {  	s24 =	simm.s32 $0x0;
	[tilespmem:$0x3B0] =	vst v0  }
0x1a: {  	v4 =	vld [tilespmem:s24+$0x0];
	_ =	sdelay $0x2  }
0x1b: {  	v5 =	vor.u32 s8, v1  }
0x1c: {  	v5 =	vshrl.u32 v5, $0x2  }
0x1d: {  	v5 =	vmin.u32 v5, $0xC7F;
	v4 =	vmul.u32 $0xC80, v4  }
0x1e: {  	v5 =	vadd.s32 $0xFFFFF380, v5  }
0x1f: {  	v4 =	vadd.s32 v4, v5  }
0x20: {  	s25 =	simm.s32 $0x10;
	vm2 =	vgt.s32 v4, $0x0  }
0x21: {  	v7 =	vnsel vm2, $0x0, v4;
	v4 =	vld [tilespmem:s25+$0x0];
	_ =	sdelay $0x1  }
0x22: {  	s26 =	sadd.s32 $0x10, s8  }
0x23: {  	v5 =	vor.u32 s26, v1  }
0x24: {  	s28 =	simm.s32 $0x80;
	v6 =	vshrl.u32 v5, $0x2;
	v5 =	vadd.s32 $0x6400, v7  }
.LBB2_2:
0x25: {  	s29 =	sshra.s32 s28, $0x2;
	p0 =	sne.s32 s28, $0x600;
	s28 =	sadd.s32 $0x40, s28;
	v7 =	vmul.u32 $0xC80, v4;
	v6 =	vmin.u32 v6, $0xC7F;
	[tilespmem:s24+$0x400] =	vst v5  }
.Ltmp0:
0x26: {  	s24 =	smov.u32 s25;
	v4 =	vld [tilespmem:s29+$0x0];
	v5 =	vadd.s32 $0xFFFFF380, v6;
	s25 =	smov.u32 s29;
	(pc) =	sbr.rel @p0 .LBB2_2-.Ltmp0, $4  }
0x27: {  	v5 =	vadd.s32 v7, v5  }
0x28: {  	s26 =	sadd.s32 $0x10, s26;
	vm2 =	vgt.s32 v5, $0x0  }
0x29: {  	v6 =	vor.u32 s26, v1;
	v5 =	vnsel vm2, $0x0, v5  }
0x2a: {  	v6 =	vshrl.u32 v6, $0x2;
	v5 =	vadd.s32 $0x6400, v5  }
0x2b: {  	v4 =	vmul.u32 $0xC80, v4;
	v6 =	vmin.u32 v6, $0xC7F  }
0x2c: {  	v6 =	vadd.s32 $0xFFFFF380, v6  }
0x2d: {  	v4 =	vadd.s32 v4, v6  }
0x2e: {  	vm2 =	vgt.s32 v4, $0x0  }
0x2f: {  	v4 =	vnsel vm2, $0x0, v4  }
0x30: {  	[tilespmem:s24+$0x400] =	vst v5;
	v4 =	vadd.s32 $0x6400, v4  }
0x31: {  	[tilespmem:s25+$0x400] =	vst v4  }
0x32: {  	[tilespmem:s13], [sflag:$0x1] =	stream.indirect.gather [hbm4b:s3+s11], $0x1, s12, s11, $0xb8;
	[tilespmem:$0x980] =	vst v63  }
0x33: {  	_ = 	snop  }
0x34: {  	[tilespmem:s15], [sflag:$0x1] =	stream.indirect.gather [hbm4b:s3+s11], $0x1, s14, s11, $0xb8;
	[tilespmem:$0x980] =	vst v63  }
0x35: {  	_ = 	snop  }
0x36: {  	[tilespmem:s17], [sflag:$0x1] =	stream.indirect.gather [hbm4b:s3+s11], $0x1, s16, s11, $0xb8;
	[tilespmem:$0x980] =	vst v63  }
0x37: {  	_ = 	snop  }
0x38: {  	[tilespmem:s20], [sflag:$0x1] =	stream.indirect.gather [hbm4b:s3+s18], $0x1, s19, s18, $0xb8;
	[tilespmem:$0x980] =	vst v63  }
0x39: {  	_ =	swait.ge [sflag:s21], $0x80  }
0x3a: {  	[sflag:s21] =	ssyncset.done $0x0  }
0x3b: {  	[sflag:s21] =	ssyncadd.s32 $0xFFFFFF80  }
0x3c: {  	_ =	swait.ge [sflag:s21], $0x80  }
0x3d: {  	[sflag:s21] =	ssyncset.done $0x0  }
0x3e: {  	[sflag:s21] =	ssyncadd.s32 $0xFFFFFF80  }
0x3f: {  	_ =	swait.ge [sflag:s21], $0x80  }
0x40: {  	[sflag:s21] =	ssyncset.done $0x0  }
0x41: {  	[sflag:s21] =	ssyncadd.s32 $0xFFFFFF80  }
0x42: {  	_ =	swait.ge [sflag:s21], $0x10  }
0x43: {  	[sflag:s21] =	ssyncset.done $0x0  }
0x44: {  	[sflag:s21] =	ssyncadd.s32 $0xFFFFFFF0  }
0x45: {  	[tilespmem:$0x800] =	vst v2  }
0x46: {  	s24 =	simm.s32 $0x40;
	s25 =	simm.s32 $0x0;
	[tilespmem:$0x880] =	vst v2;
	v4 =	vld [tilespmem:$0x800]  }
.LBB2_4:
0x47: {  	p0 =	sne.s32 s24, $0x600;
	v5 =	vld [tilespmem:s25+$0x0]  }
0x48: {  	v6 =	vld [tilespmem:s25+$0x200]  }
0x49: {  	v7 =	vld [tilespmem:s25+$0x600];
	_ =	sdelay $0x2  }
0x4a: {  	vm2 =	veq.s32 v5, $0x0  }
0x4b: {  	v5 =	vsel vm2, $0x0, v6  }
.Ltmp1:
0x4c: {  	v5 =	vmul.f32 v5, v7;
	(pc) =	sbr.rel @p0 .LBB2_4-.Ltmp1, $3  }
0x4d: {  	_ = 	snop  }
0x4e: {  	v4 =	vadd.f32 v5, v4;
	_ =	sdelay $0x1  }
0x4f: {  	s25 =	sshra.s32 s24, $0x2;
	s24 =	sadd.s32 $0x40, s24;
	[tilespmem:$0x800] =	vst v4  }
0x50: {  	v5 =	vld [tilespmem:s25+$0x0]  }
0x51: {  	v6 =	vld [tilespmem:s25+$0x200]  }
0x52: {  	v7 =	vld [tilespmem:s25+$0x600];
	_ =	sdelay $0x2  }
0x53: {  	vm2 =	veq.s32 v5, $0x0  }
0x54: {  	s24 =	simm.s32 $0x0;
	v5 =	vsel vm2, $0x0, v6  }
0x55: {  	v6 =	vor.u32 s24, v3;
	v5 =	vmul.f32 v5, v7  }
0x56: {  	s29 =	simm.s32 $0x1  }
0x57: {  	v4 =	vadd.f32 v5, v4;
	v5 =	vor.u32 s29, v3  }
0x58: {  	s30 =	simm.s32 $0x2  }
0x59: {  	[tilespmem:$0x800] =	vst v4;
	v4 =	vor.u32 s30, v3  }
0x5a: {  	s31 =	simm.s32 $0x3;
	v6 =	vld.idx.msk [tilespmem:v6+s10+$0x0], $0xffff  }
0x5b: {  	v7 =	vor.u32 s31, v3  }
0x5c: {  	v5 =	vld.idx.msk [tilespmem:v5+s10+$0x0], $0xffff;
	_ =	sdelay $0x1  }
0x5d: {  	v4 =	vld.idx.msk [tilespmem:v4+s10+$0x0], $0xffff  }
0x5e: {  	v6 =	vadd.f32 $0.0e+00, v6  }
0x5f: {  	v7 =	vld.idx.msk [tilespmem:v7+s10+$0x0], $0xffff  }
0x60: {  	v5 =	vadd.f32 v5, v6;
	_ =	sdelay $0x1  }
0x61: {  	v4 =	vadd.f32 v4, v5;
	_ =	sdelay $0x1  }
0x62: {  	v5 =	vadd.f32 v7, v4;
	v4 =	vld [tilespmem:$0x880];
	_ =	sdelay $0x1  }
0x63: {  	s26 =	simm.s32 $0x40;
	s25 =	simm.s32 $0x83;
	s24 =	simm.s32 $0x43;
	vm2 =	vlt.f32 v5, $0.0e+00;
	vm3 =	vgt.f32 v5, $0.0e+00  }
.LBB2_6:
0x64: {  	p0 =	sne.s32 s25, $0x183;
	v5 =	vor.u32 s26, v3;
	vm2 =	vmor vm3, vm2  }
0x65: {  	s26 =	sadd.s32 $0xFFFFFFFE, s24;
	v6 =	vsel vm2, $0x3F800000, v2  }
0x66: {  	v7 =	vor.u32 s26, v3;
	v4 =	vadd.f32 v6, v4  }
0x67: {  	s26 =	sadd.s32 $0xFFFFFFFF, s24  }
0x68: {  	v6 =	vor.u32 s26, v3;
	[tilespmem:$0x880] =	vst v4  }
0x69: {  	v4 =	vld.idx.msk [tilespmem:v5+s10+$0x0], $0xffff  }
0x6a: {  	v5 =	vor.u32 s24, v3;
	s24 =	smov.u32 s25  }
0x6b: {  	v7 =	vld.idx.msk [tilespmem:v7+s10+$0x0], $0xffff;
	_ =	sdelay $0x1  }
0x6c: {  	v6 =	vld.idx.msk [tilespmem:v6+s10+$0x0], $0xffff;
	_ =	sdelay $0x1  }
0x6d: {  	v4 =	vadd.f32 $0.0e+00, v4;
	v5 =	vld.idx.msk [tilespmem:v5+s10+$0x0], $0xffff;
	_ =	sdelay $0x1  }
0x6e: {  	v4 =	vadd.f32 v7, v4;
	_ =	sdelay $0x1  }
.Ltmp2:
0x6f: {  	v4 =	vadd.f32 v6, v4;
	(pc) =	sbr.rel @p0 .LBB2_6-.Ltmp2, $3  }
0x70: {  	_ = 	snop  }
0x71: {  	v5 =	vadd.f32 v5, v4;
	v4 =	vld [tilespmem:$0x880];
	_ =	sdelay $0x1  }
0x72: {  	s25 =	sadd.s32 $0x40, s25;
	s26 =	sadd.s32 $0xFFFFFFFD, s24;
	vm2 =	vlt.f32 v5, $0.0e+00;
	vm3 =	vgt.f32 v5, $0.0e+00  }
0x73: {  	v5 =	vor.u32 s26, v3;
	vm2 =	vmor vm3, vm2  }
0x74: {  	s25 =	sadd.s32 $0xFFFFFFFE, s24;
	v7 =	vld [tilespmem:$0x800];
	v6 =	vsel vm2, $0x3F800000, v2  }
0x75: {  	v60 =	vor.u32 s25, v3;
	v4 =	vadd.f32 v6, v4  }
0x76: {  	s30 =	sadd.s32 $0xFFFFFFFF, s24  }
0x77: {  	[tilespmem:$0x880] =	vst v4;
	v4 =	vor.u32 s30, v3  }
0x78: {  	v5 =	vld.idx.msk [tilespmem:v5+s10+$0x0], $0xffff  }
0x79: {  	v61 =	vor.u32 s24, v3;
	(xrf2) =	vadd.scan.msk.f32 $0xffff, v7  }
0x7a: {  	v6 =	vld.idx.msk [tilespmem:v60+s10+$0x0], $0xffff;
	_ =	sdelay $0x1  }
0x7b: {  	v4 =	vld.idx.msk [tilespmem:v4+s10+$0x0], $0xffff  }
0x7c: {  	v5 =	vadd.f32 $0.0e+00, v5  }
0x7d: {  	v7 =	vld.idx.msk [tilespmem:v61+s10+$0x0], $0xffff  }
0x7e: {  	v5 =	vadd.f32 v6, v5;
	_ =	sdelay $0x1  }
0x7f: {  	v4 =	vadd.f32 v4, v5;
	_ =	sdelay $0x1  }
0x80: {  	v5 =	vld [tilespmem:$0x880];
	v62, _, _ =	vpop (xrf2);
	v4 =	vadd.f32 v7, v4  }
0x81: {  	(v2sf) =	vpush v62, $0xF  }
0x82: {  	vm2 =	vlt.f32 v4, $0.0e+00;
	vm3 =	vgt.f32 v4, $0.0e+00  }
0x83: {  	vm2 =	vmor vm3, vm2  }
0x84: {  	v4 =	vsel vm2, $0x3F800000, v2  }
0x85: {  	v4 =	vadd.f32 v4, v5;
	_ =	sdelay $0x1  }
0x86: {  	(xrf2) =	vadd.scan.msk.f32 $0xffff, v4;
	_ =	sdelay $0x8  }
0x87: {  	s31 =	spop (v2sf)  }
0x88: {  	s24 =	ssub.f32 $0.0e+00, s31;
	v5, _, _ =	vpop (xrf2)  }
0x89: {  	v5 =	vbroadcast v5, $0xF  }
0x8a: {  	v63 =	vmov s24  }
0x8b: {  	v6 =	vnsel vm0, $0x0, v63;
	v5 =	vnsel vm1, $0x0, v5  }
0x8c: {  	s23 =	sadd.s32 $0x1, s23;
	v5 =	vadd.f32 v5, v6  }
0x8d: {  	p0 =	sne.s32 s23, s7;
	[tilespmem:$0x880] =	vst v4  }
.Ltmp3:
0x8e: {  	[tilespmem:$0x900] =	vst v5;
	(pc) =	sbr.rel @p0 .LBB2_1-.Ltmp3, $4  }
0x8f: {  	[hbm4b:s6+s2] =	stream.linear.scatter [tilespmem:s22], [sflag:$0x2], $0x80, $0x38;
	[tilespmem:$0x980] =	vst v63  }
0x90: {  	_ =	swait.ge [sflag:s9], $0x80  }
0x91: {  	[sflag:s9] =	ssyncset.done $0x0  }
0x92: {  	[sflag:s9] =	ssyncadd.s32 $0xFFFFFF80  }
0x93: {  	_ =	sfence.sel $0x180000  }
0x94: {  	[bflag:$0x0] =	sbarrier.arrive $0xFFFF  }
0x95: {  	p0 =	sne.s32 s0, $0x0;
	_ =	strace $0x90000047  }
0x96: {  	s0 =	sadd.s32 @!p0 $0x100000, s1;
	[bflag:$0x2] =	sbarrier.arrive $0xFFFF  }
0x97: {  	[sflag:s0] =	ssyncadd.tile.s32 @!p0 $0x1;
	_ =	shalt  }
.Lfunc_end2:
_tile_overlayer_lowered:
.L_overlay_start_2:
0x98: {  	(tag) =	ssettag $0x2  }
0x99: {  	s0 =	rddreg [dreg:$0x0];
	s2 =	stileid.u32  }
0x9a: {  	s1 =	rddreg [dreg:$0x1];
	p0 =	sne.s32 s2, $0x0  }
0x9b: {  	s3 =	rddreg [dreg:$0x2];
	[bflag:$0x3] =	sbarrier.arrive $0xFFFF;
	s2 =	simm.s32 @!p0 $0x1C02  }
0x9c: {  	[timem:s3], [sflag:s2] =	dma.local @!p0 [hbm:s0], s1  }
0x9d: {  	s0 =	simm.s32 @!p0 $0x2  }
0x9e: {  	_ =	swait.ge @!p0 [sflag:s0], s1  }
0x9f: {  	s1 =	ssub.s32 @!p0 $0x0, s1;
	[sflag:s0] =	ssyncset.done @!p0 $0x0  }
0xa0: {  	[sflag:s0] =	ssyncadd.s32 @!p0 s1  }
0xa1: {  	[bflag:$0x3] =	sbarrier.arrive $0xFFFF  }
0xa2: {  	_ =	shalt  }

</sc_bundles>
